<compile_context>
chip_gen: v7x
topology: tpu7x:2x2x1
jax: 0.10.2.dev20260603
libtpu: 0.0.44.dev20260713+nightly
codegen_flags: <defaults>
</compile_context>

<pallas_src>
import functools

import jax
import jax.numpy as jnp
from jax import lax
from jax.experimental import pallas as pl
from jax.experimental.pallas import tpu as pltpu
from jax.experimental.pallas import tpu_sc as plsc

R = 16384
C = 4096
K = 3
KP = 4
NW = 32
RPW = R // NW
BPW = RPW // 8
L = 16
COLS = (1, 3, 0)
OPW = RPW // 128 * KP * 128


@functools.partial(
    pl.kernel,
    out_type=jax.ShapeDtypeStruct((KP * R,), jnp.float32),
    mesh=plsc.VectorSubcoreMesh(core_axis_name="c", subcore_axis_name="s"),
    scratch_types=[
        pltpu.VMEM((BPW, 8, 128), jnp.float32),
        pltpu.VMEM((OPW,), jnp.float32),
    ],
    compiler_params=pltpu.CompilerParams(
        use_tc_tiling_on_sc=True,
        needs_layout_passes=False,
    ),
)
def _sc_gather(x_hbm, out_hbm, blk_v, out_v):
    wid = lax.axis_index("s") * 2 + lax.axis_index("c")

    pltpu.sync_copy(
        x_hbm.at[pl.ds(wid * BPW, BPW), :, pl.ds(0, 16)],
        blk_v.at[:, :, pl.ds(0, 16)],
    )

    iota = lax.iota(jnp.int32, L)

    def extract(k, carry):
        m = k * L + iota
        b = lax.shift_right_logical(m, 3)
        r8 = lax.bitwise_and(m, 7)
        for jj, j in enumerate(COLS):
            lane = jnp.full((L,), j, jnp.int32)
            vals = plsc.load_gather(blk_v, [b, r8, lane])
            off = (k // 8) * (KP * 128) + jj * 128 + (k % 8) * L
            out_v[pl.ds(off, L)] = vals
        return carry

    lax.fori_loop(0, RPW // L, extract, None)

    pltpu.sync_copy(out_v, out_hbm.at[pl.ds(wid * OPW, OPW)])


def kernel(x):
    x3 = x.reshape(R // 8, 8, C)
    out_flat = _sc_gather(x3)
    out = out_flat.reshape(R // 128, KP, 128).transpose(0, 2, 1)
    return out.reshape(R, KP)[:, :K]

# --- scband reference (transcript-rebuilt; emitter-appended) ---
"""Pipeline reference for scband-gather2-daxis1-model-7550552506440 (READ-ONLY COPY).

The authoritative reference and input builder live on the scoring server;
editing this copy changes nothing except your own understanding.
"""

import jax, jax.numpy as jnp
import numpy as np


def setup_inputs(seed: int = 0) -> dict:
    key = jax.random.key(seed)
    x = jax.random.normal(key, (16384, 4096), dtype=jnp.float32)
    return {"x": x}


def reference(x):
    indices = jnp.array([1, 3, 0], dtype=jnp.int32)
    # gather along axis=1 (permute-gather-permute strategy in the original backend)
    return jnp.take(x, indices, axis=1)

if __name__ == "__main__":
    import jax
    _d = setup_inputs()
    print(jax.jit(kernel)(*tuple(_d.values())))

</pallas_src>

<mosaic_0001>
#map = affine_map<(d0, d1) -> (0, 0, 0)>
#map1 = affine_map<(d0, d1) -> (0)>
module attributes {stable_mosaic.version = 14 : i64} {
  func.func @_sc_gather(%arg0: i32, %arg1: i32, %arg2: memref<2048x8x4096xf32, #tpu.memory_space<hbm>>, %arg3: memref<65536xf32, #tpu.memory_space<hbm>>, %arg4: memref<64x8x128xf32, #tpu.memory_space<vmem>>, %arg5: memref<2048xf32, #tpu.memory_space<vmem>>) attributes {dimension_semantics = [#tpu.dimension_semantics<core_parallel>, #tpu.dimension_semantics<subcore_parallel>], iteration_bounds = array<i64: 2, 16>, scalar_prefetch = 0 : i64, scratch_operands = 2 : i64, tpu.core_type = #tpu.core_type<sc_vector_subcore>, window_params = [{transform_indices = #map}, {transform_indices = #map1}]} {
    %mul3A = arith.constant 2 : i32
    %mul3A_0 = arith.muli %arg1, %mul3A : i32
    %add3A = arith.addi %mul3A_0, %arg0 : i32
    %mul3A_1 = arith.constant 64 : i32
    %mul3A_2 = arith.muli %add3A, %mul3A_1 : i32
    "tpu.region"() ({
      %run_scoped3A = tpu.sem_alloc : memref<!tpu.dma_semaphore, #tpu.memory_space<semaphore_mem>>
      %dma_start3A = arith.constant 0 : i32
      %dma_start3A_9 = arith.constant 0 : i32
      %dma_start3A_10 = arith.constant 0 : i32
      %dma_start3A_11 = tpu.memref_slice %arg4[%dma_start3A, %dma_start3A_9, %dma_start3A_10] : memref<64x8x128xf32, #tpu.memory_space<vmem>> -> memref<64x8x16xf32, #tpu.memory_space<vmem>>
      %dma_start3A_12 = arith.constant 0 : i32
      %dma_start3A_13 = arith.constant 0 : i32
      %dma_start3A_14 = tpu.memref_slice %arg2[%mul3A_2, %dma_start3A_12, %dma_start3A_13] : memref<2048x8x4096xf32, #tpu.memory_space<hbm>> -> memref<64x8x16xf32, #tpu.memory_space<hbm>>
      %dma_start3A_15 = arith.constant 0 : i32
      %dma_start3A_16 = arith.constant 0 : i32
      %dma_start3A_17 = arith.constant 0 : i32
      %dma_start3A_18 = tpu.memref_slice %arg4[%dma_start3A_15, %dma_start3A_16, %dma_start3A_17] : memref<64x8x128xf32, #tpu.memory_space<vmem>> -> memref<64x8x16xf32, #tpu.memory_space<vmem>>
      %dma_start3A_19 = arith.constant 0 : i32
      %dma_start3A_20 = arith.constant 0 : i32
      %dma_start3A_21 = tpu.memref_slice %arg2[%mul3A_2, %dma_start3A_19, %dma_start3A_20] : memref<2048x8x4096xf32, #tpu.memory_space<hbm>> -> memref<64x8x16xf32, #tpu.memory_space<hbm>>
      tpu.enqueue_dma source(%dma_start3A_21 : memref<64x8x16xf32, #tpu.memory_space<hbm>>) target(%dma_start3A_18 : memref<64x8x16xf32, #tpu.memory_space<vmem>>) target_semaphore(%run_scoped3A : memref<!tpu.dma_semaphore, #tpu.memory_space<semaphore_mem>>)
      %dma_wait3A = arith.constant 0 : i32
      %dma_wait3A_22 = arith.constant 0 : i32
      %dma_wait3A_23 = arith.constant 0 : i32
      %dma_wait3A_24 = tpu.memref_slice %arg4[%dma_wait3A, %dma_wait3A_22, %dma_wait3A_23] : memref<64x8x128xf32, #tpu.memory_space<vmem>> -> memref<64x8x16xf32, #tpu.memory_space<vmem>>
      %dma_wait3A_25 = arith.constant 0 : i32
      %dma_wait3A_26 = arith.constant 0 : i32
      %dma_wait3A_27 = tpu.memref_slice %arg2[%mul3A_2, %dma_wait3A_25, %dma_wait3A_26] : memref<2048x8x4096xf32, #tpu.memory_space<hbm>> -> memref<64x8x16xf32, #tpu.memory_space<hbm>>
      %dma_wait3A_28 = arith.constant 0 : i32
      %dma_wait3A_29 = arith.constant 0 : i32
      %dma_wait3A_30 = arith.constant 0 : i32
      %dma_wait3A_31 = tpu.memref_slice %arg4[%dma_wait3A_28, %dma_wait3A_29, %dma_wait3A_30] : memref<64x8x128xf32, #tpu.memory_space<vmem>> -> memref<64x8x16xf32, #tpu.memory_space<vmem>>
      %dma_wait3A_32 = arith.constant 0 : i32
      %dma_wait3A_33 = arith.constant 0 : i32
      %dma_wait3A_34 = tpu.memref_slice %arg2[%mul3A_2, %dma_wait3A_32, %dma_wait3A_33] : memref<2048x8x4096xf32, #tpu.memory_space<hbm>> -> memref<64x8x16xf32, #tpu.memory_space<hbm>>
      tpu.wait_dma2 semaphore(%run_scoped3A : memref<!tpu.dma_semaphore, #tpu.memory_space<semaphore_mem>>) src(%dma_wait3A_34 : memref<64x8x16xf32, #tpu.memory_space<hbm>>) dst(%dma_wait3A_31 : memref<64x8x16xf32, #tpu.memory_space<vmem>>)
      tpu.yield
    }) : () -> ()
    %iota3A = tpu.iota {dimensions = array<i32: 0>} : vector<16xi32>
    %scan3A = arith.constant 0 : i32
    %scan3A_3 = arith.constant 32 : i32
    %scan3A_4 = arith.addi %scan3A, %scan3A_3 : i32
    %scan3A_5 = arith.constant 1 : i32
    scf.for %scan3A_9 = %scan3A to %scan3A_4 step %scan3A_5  : i32 {
      %mul3A_10 = arith.constant 16 : i32
      %mul3A_11 = arith.muli %scan3A_9, %mul3A_10 : i32
      %add3A_12 = vector.broadcast %mul3A_11 : i32 to vector<16xi32>
      %add3A_13 = arith.addi %add3A_12, %iota3A : vector<16xi32>
      %shift_right_logical3A = arith.constant 3 : i32
      %shift_right_logical3A_14 = vector.broadcast %shift_right_logical3A : i32 to vector<16xi32>
      %shift_right_logical3A_15 = arith.shrui %add3A_13, %shift_right_logical3A_14 : vector<16xi32>
      %and3A = arith.constant 7 : i32
      %and3A_16 = vector.broadcast %and3A : i32 to vector<16xi32>
      %and3A_17 = arith.andi %add3A_13, %and3A_16 : vector<16xi32>
      %broadcast_in_dim3A = arith.constant 1 : i32
      %broadcast_in_dim3A_18 = vector.broadcast %broadcast_in_dim3A : i32 to vector<16xi32>
      %gather3A = tpu.vector_load_idx %arg4[%shift_right_logical3A_15, %and3A_17, %broadcast_in_dim3A_18] : memref<64x8x128xf32, #tpu.memory_space<vmem>>[vector<16xi32>, vector<16xi32>, vector<16xi32>], vector<16xf32>,
      %jit3A = arith.constant 8 : i32
      %div3A = arith.divsi %scan3A_9, %jit3A : i32
      %sign3A = arith.constant 0 : i32
      %sign3A_19 = arith.cmpi sgt, %scan3A_9, %sign3A : i32
      %sign3A_20 = arith.extui %sign3A_19 : i1 to i32
      %sign3A_21 = arith.constant 0 : i32
      %sign3A_22 = arith.cmpi slt, %scan3A_9, %sign3A_21 : i32
      %sign3A_23 = arith.extui %sign3A_22 : i1 to i32
      %sign3A_24 = arith.subi %sign3A_20, %sign3A_23 : i32
      %sign3A_25 = arith.constant 0 : i32
      %sign3A_26 = arith.cmpi sgt, %jit3A, %sign3A_25 : i32
      %sign3A_27 = arith.extui %sign3A_26 : i1 to i32
      %sign3A_28 = arith.constant 0 : i32
      %sign3A_29 = arith.cmpi slt, %jit3A, %sign3A_28 : i32
      %sign3A_30 = arith.extui %sign3A_29 : i1 to i32
      %sign3A_31 = arith.subi %sign3A_27, %sign3A_30 : i32
      %ne3A = arith.cmpi ne, %sign3A_24, %sign3A_31 : i32
      %rem3A = arith.remsi %scan3A_9, %jit3A : i32
      %ne3A_32 = arith.constant 0 : i32
      %ne3A_33 = arith.cmpi ne, %rem3A, %ne3A_32 : i32
      %and3A_34 = arith.andi %ne3A, %ne3A_33 : i1
      %sub3A = arith.constant 1 : i32
      %sub3A_35 = arith.subi %div3A, %sub3A : i32
      %select_n3A = arith.select %and3A_34, %sub3A_35, %div3A : i32
      %mul3A_36 = arith.constant 512 : i32
      %mul3A_37 = arith.muli %select_n3A, %mul3A_36 : i32
      %add3A_38 = arith.constant 0 : i32
      %add3A_39 = arith.addi %mul3A_37, %add3A_38 : i32
      %jit3A_40 = arith.constant 8 : i32
      %eq3A = arith.constant 0 : i32
      %eq3A_41 = arith.cmpi eq, %jit3A_40, %eq3A : i32
      %jit3A_42 = arith.constant 1 : i32
      %select_n3A_43 = arith.select %eq3A_41, %jit3A_42, %jit3A_40 : i32
      %rem3A_44 = arith.remsi %scan3A_9, %select_n3A_43 : i32
      %ne3A_45 = arith.constant 0 : i32
      %ne3A_46 = arith.cmpi ne, %rem3A_44, %ne3A_45 : i32
      %lt3A = arith.constant 0 : i32
      %lt3A_47 = arith.cmpi slt, %rem3A_44, %lt3A : i32
      %lt3A_48 = arith.constant 0 : i32
      %lt3A_49 = arith.cmpi slt, %select_n3A_43, %lt3A_48 : i32
      %ne3A_50 = arith.xori %lt3A_47, %lt3A_49 : i1
      %and3A_51 = arith.andi %ne3A_50, %ne3A_46 : i1
      %add3A_52 = arith.addi %rem3A_44, %select_n3A_43 : i32
      %select_n3A_53 = arith.select %and3A_51, %add3A_52, %rem3A_44 : i32
      %mul3A_54 = arith.constant 16 : i32
      %mul3A_55 = arith.muli %select_n3A_53, %mul3A_54 : i32
      %add3A_56 = arith.addi %add3A_39, %mul3A_55 : i32
      %swap3A = arith.index_cast %add3A_56 : i32 to index
      %swap3A_57 = tpu.vector_load %arg5[%swap3A] {strides = array<i32>} : memref<2048xf32, #tpu.memory_space<vmem>>, vector<16xf32>,
      tpu.vector_store %arg5[%swap3A], %gather3A {strides = array<i32>} : memref<2048xf32, #tpu.memory_space<vmem>>, vector<16xf32>,
      %broadcast_in_dim3A_58 = arith.constant 3 : i32
      %broadcast_in_dim3A_59 = vector.broadcast %broadcast_in_dim3A_58 : i32 to vector<16xi32>
      %gather3A_60 = tpu.vector_load_idx %arg4[%shift_right_logical3A_15, %and3A_17, %broadcast_in_dim3A_59] : memref<64x8x128xf32, #tpu.memory_space<vmem>>[vector<16xi32>, vector<16xi32>, vector<16xi32>], vector<16xf32>,
      %jit3A_61 = arith.constant 8 : i32
      %div3A_62 = arith.divsi %scan3A_9, %jit3A_61 : i32
      %sign3A_63 = arith.constant 0 : i32
      %sign3A_64 = arith.cmpi sgt, %scan3A_9, %sign3A_63 : i32
      %sign3A_65 = arith.extui %sign3A_64 : i1 to i32
      %sign3A_66 = arith.constant 0 : i32
      %sign3A_67 = arith.cmpi slt, %scan3A_9, %sign3A_66 : i32
      %sign3A_68 = arith.extui %sign3A_67 : i1 to i32
      %sign3A_69 = arith.subi %sign3A_65, %sign3A_68 : i32
      %sign3A_70 = arith.constant 0 : i32
      %sign3A_71 = arith.cmpi sgt, %jit3A_61, %sign3A_70 : i32
      %sign3A_72 = arith.extui %sign3A_71 : i1 to i32
      %sign3A_73 = arith.constant 0 : i32
      %sign3A_74 = arith.cmpi slt, %jit3A_61, %sign3A_73 : i32
      %sign3A_75 = arith.extui %sign3A_74 : i1 to i32
      %sign3A_76 = arith.subi %sign3A_72, %sign3A_75 : i32
      %ne3A_77 = arith.cmpi ne, %sign3A_69, %sign3A_76 : i32
      %rem3A_78 = arith.remsi %scan3A_9, %jit3A_61 : i32
      %ne3A_79 = arith.constant 0 : i32
      %ne3A_80 = arith.cmpi ne, %rem3A_78, %ne3A_79 : i32
      %and3A_81 = arith.andi %ne3A_77, %ne3A_80 : i1
      %sub3A_82 = arith.constant 1 : i32
      %sub3A_83 = arith.subi %div3A_62, %sub3A_82 : i32
      %select_n3A_84 = arith.select %and3A_81, %sub3A_83, %div3A_62 : i32
      %mul3A_85 = arith.constant 512 : i32
      %mul3A_86 = arith.muli %select_n3A_84, %mul3A_85 : i32
      %add3A_87 = arith.constant 128 : i32
      %add3A_88 = arith.addi %mul3A_86, %add3A_87 : i32
      %jit3A_89 = arith.constant 8 : i32
      %eq3A_90 = arith.constant 0 : i32
      %eq3A_91 = arith.cmpi eq, %jit3A_89, %eq3A_90 : i32
      %jit3A_92 = arith.constant 1 : i32
      %select_n3A_93 = arith.select %eq3A_91, %jit3A_92, %jit3A_89 : i32
      %rem3A_94 = arith.remsi %scan3A_9, %select_n3A_93 : i32
      %ne3A_95 = arith.constant 0 : i32
      %ne3A_96 = arith.cmpi ne, %rem3A_94, %ne3A_95 : i32
      %lt3A_97 = arith.constant 0 : i32
      %lt3A_98 = arith.cmpi slt, %rem3A_94, %lt3A_97 : i32
      %lt3A_99 = arith.constant 0 : i32
      %lt3A_100 = arith.cmpi slt, %select_n3A_93, %lt3A_99 : i32
      %ne3A_101 = arith.xori %lt3A_98, %lt3A_100 : i1
      %and3A_102 = arith.andi %ne3A_101, %ne3A_96 : i1
      %add3A_103 = arith.addi %rem3A_94, %select_n3A_93 : i32
      %select_n3A_104 = arith.select %and3A_102, %add3A_103, %rem3A_94 : i32
      %mul3A_105 = arith.constant 16 : i32
      %mul3A_106 = arith.muli %select_n3A_104, %mul3A_105 : i32
      %add3A_107 = arith.addi %add3A_88, %mul3A_106 : i32
      %swap3A_108 = arith.index_cast %add3A_107 : i32 to index
      %swap3A_109 = tpu.vector_load %arg5[%swap3A_108] {strides = array<i32>} : memref<2048xf32, #tpu.memory_space<vmem>>, vector<16xf32>,
      tpu.vector_store %arg5[%swap3A_108], %gather3A_60 {strides = array<i32>} : memref<2048xf32, #tpu.memory_space<vmem>>, vector<16xf32>,
      %broadcast_in_dim3A_110 = arith.constant 0 : i32
      %broadcast_in_dim3A_111 = vector.broadcast %broadcast_in_dim3A_110 : i32 to vector<16xi32>
      %gather3A_112 = tpu.vector_load_idx %arg4[%shift_right_logical3A_15, %and3A_17, %broadcast_in_dim3A_111] : memref<64x8x128xf32, #tpu.memory_space<vmem>>[vector<16xi32>, vector<16xi32>, vector<16xi32>], vector<16xf32>,
      %jit3A_113 = arith.constant 8 : i32
      %div3A_114 = arith.divsi %scan3A_9, %jit3A_113 : i32
      %sign3A_115 = arith.constant 0 : i32
      %sign3A_116 = arith.cmpi sgt, %scan3A_9, %sign3A_115 : i32
      %sign3A_117 = arith.extui %sign3A_116 : i1 to i32
      %sign3A_118 = arith.constant 0 : i32
      %sign3A_119 = arith.cmpi slt, %scan3A_9, %sign3A_118 : i32
      %sign3A_120 = arith.extui %sign3A_119 : i1 to i32
      %sign3A_121 = arith.subi %sign3A_117, %sign3A_120 : i32
      %sign3A_122 = arith.constant 0 : i32
      %sign3A_123 = arith.cmpi sgt, %jit3A_113, %sign3A_122 : i32
      %sign3A_124 = arith.extui %sign3A_123 : i1 to i32
      %sign3A_125 = arith.constant 0 : i32
      %sign3A_126 = arith.cmpi slt, %jit3A_113, %sign3A_125 : i32
      %sign3A_127 = arith.extui %sign3A_126 : i1 to i32
      %sign3A_128 = arith.subi %sign3A_124, %sign3A_127 : i32
      %ne3A_129 = arith.cmpi ne, %sign3A_121, %sign3A_128 : i32
      %rem3A_130 = arith.remsi %scan3A_9, %jit3A_113 : i32
      %ne3A_131 = arith.constant 0 : i32
      %ne3A_132 = arith.cmpi ne, %rem3A_130, %ne3A_131 : i32
      %and3A_133 = arith.andi %ne3A_129, %ne3A_132 : i1
      %sub3A_134 = arith.constant 1 : i32
      %sub3A_135 = arith.subi %div3A_114, %sub3A_134 : i32
      %select_n3A_136 = arith.select %and3A_133, %sub3A_135, %div3A_114 : i32
      %mul3A_137 = arith.constant 512 : i32
      %mul3A_138 = arith.muli %select_n3A_136, %mul3A_137 : i32
      %add3A_139 = arith.constant 256 : i32
      %add3A_140 = arith.addi %mul3A_138, %add3A_139 : i32
      %jit3A_141 = arith.constant 8 : i32
      %eq3A_142 = arith.constant 0 : i32
      %eq3A_143 = arith.cmpi eq, %jit3A_141, %eq3A_142 : i32
      %jit3A_144 = arith.constant 1 : i32
      %select_n3A_145 = arith.select %eq3A_143, %jit3A_144, %jit3A_141 : i32
      %rem3A_146 = arith.remsi %scan3A_9, %select_n3A_145 : i32
      %ne3A_147 = arith.constant 0 : i32
      %ne3A_148 = arith.cmpi ne, %rem3A_146, %ne3A_147 : i32
      %lt3A_149 = arith.constant 0 : i32
      %lt3A_150 = arith.cmpi slt, %rem3A_146, %lt3A_149 : i32
      %lt3A_151 = arith.constant 0 : i32
      %lt3A_152 = arith.cmpi slt, %select_n3A_145, %lt3A_151 : i32
      %ne3A_153 = arith.xori %lt3A_150, %lt3A_152 : i1
      %and3A_154 = arith.andi %ne3A_153, %ne3A_148 : i1
      %add3A_155 = arith.addi %rem3A_146, %select_n3A_145 : i32
      %select_n3A_156 = arith.select %and3A_154, %add3A_155, %rem3A_146 : i32
      %mul3A_157 = arith.constant 16 : i32
      %mul3A_158 = arith.muli %select_n3A_156, %mul3A_157 : i32
      %add3A_159 = arith.addi %add3A_140, %mul3A_158 : i32
      %swap3A_160 = arith.index_cast %add3A_159 : i32 to index
      %swap3A_161 = tpu.vector_load %arg5[%swap3A_160] {strides = array<i32>} : memref<2048xf32, #tpu.memory_space<vmem>>, vector<16xf32>,
      tpu.vector_store %arg5[%swap3A_160], %gather3A_112 {strides = array<i32>} : memref<2048xf32, #tpu.memory_space<vmem>>, vector<16xf32>,
    }
    %scan3A_6 = arith.constant 32 : i32
    %mul3A_7 = arith.constant 2048 : i32
    %mul3A_8 = arith.muli %add3A, %mul3A_7 : i32
    "tpu.region"() ({
      %run_scoped3A = tpu.sem_alloc : memref<!tpu.dma_semaphore, #tpu.memory_space<semaphore_mem>>
      %dma_start3A = tpu.memref_slice %arg3[%mul3A_8] : memref<65536xf32, #tpu.memory_space<hbm>> -> memref<2048xf32, #tpu.memory_space<hbm>>
      %dma_start3A_9 = tpu.memref_slice %arg3[%mul3A_8] : memref<65536xf32, #tpu.memory_space<hbm>> -> memref<2048xf32, #tpu.memory_space<hbm>>
      tpu.enqueue_dma source(%arg5 : memref<2048xf32, #tpu.memory_space<vmem>>) target(%dma_start3A_9 : memref<2048xf32, #tpu.memory_space<hbm>>) target_semaphore(%run_scoped3A : memref<!tpu.dma_semaphore, #tpu.memory_space<semaphore_mem>>)
      %dma_wait3A = tpu.memref_slice %arg3[%mul3A_8] : memref<65536xf32, #tpu.memory_space<hbm>> -> memref<2048xf32, #tpu.memory_space<hbm>>
      %dma_wait3A_10 = tpu.memref_slice %arg3[%mul3A_8] : memref<65536xf32, #tpu.memory_space<hbm>> -> memref<2048xf32, #tpu.memory_space<hbm>>
      tpu.wait_dma2 semaphore(%run_scoped3A : memref<!tpu.dma_semaphore, #tpu.memory_space<semaphore_mem>>) src(%arg5 : memref<2048xf32, #tpu.memory_space<vmem>>) dst(%dma_wait3A_10 : memref<2048xf32, #tpu.memory_space<hbm>>)
      tpu.yield
    }) : () -> ()
    return
  }
}

</mosaic_0001>

<sc_bundles>
// kernel: kernel.3.cloned.1.call-start
scs
__scs_entry_jumppad:
0x0: {  	(pc) =	sbr.rel $0x88, $3  }
0x1: {  	(tag) =	ssettag $0x0;
	lr =	simm.s32 $0x1  }
0x2: {  	[smem:$0x3FA0] =	sst lr;
	_ =	strace $0xD0000000  }
0x3: {  	_ = 	snop  }
0x4: {  	_ = 	snop  }
0x5: {  	_ = 	snop  }
0x6: {  	_ = 	snop  }
0x7: {  	_ = 	snop  }
__scs_overlays_trampoline_lowered:
0x8: {  	[smem:$0x3FAF] =	sst s0  }
0x9: {  	[smem:$0x3FB0] =	sst s1  }
0xa: {  	[smem:$0x3FB1] =	sst s2  }
0xb: {  	[smem:$0x3FB2] =	sst s3  }
0xc: {  	[smem:$0x3FB3] =	sst s4  }
0xd: {  	[smem:$0x3FB4] =	sst s5  }
0xe: {  	[smem:$0x3FB5] =	sst s6  }
0xf: {  	[smem:$0x3FB6] =	sst s7  }
0x10: {  	[smem:$0x3FB7] =	sst s8  }
0x11: {  	[smem:$0x3FB8] =	sst s9;
	s0 =	simm.s32 @!p0 $0x0  }
0x12: {  	s1 =	sld [smem:$0x3F9E];
	s0 =	simm.s32 @p0 $0x1  }
0x13: {  	[smem:$0x3FB9] =	sst s0;
	s0 =	simm.s32 @!p1 $0x0  }
0x14: {  	s2 =	sld [smem:$0x3F9D];
	s0 =	simm.s32 @p1 $0x1  }
0x15: {  	[smem:$0x3FBA] =	sst s0;
	s0 =	simm.s32 @!p2 $0x0  }
0x16: {  	s3 =	sld [smem:$0x3FDB];
	s0 =	simm.s32 @p2 $0x1  }
0x17: {  	s4 =	simm.s32 $0x1BF5;
	[smem:$0x3FBC] =	sst s0  }
0x18: {  	s0 =	sld [smem:$0x3F9F];
	_ =	swait.ge [sflag:s4], $0x0  }
0x19: {  	s7 =	sld [smem:$0x3FA0]  }
0x1a: {  	s8 =	sadd.s32 $0xFFFFE003, lr  }
0x1b: {  	s9 =	sadd.s32 $0xFFFFFEF7, lr;
	s5 =	simm.s32 $0xFFFFFFFF;
	p2 =	slt.u32 s8, $0xFFFFF086  }
0x1c: {  	p1 =	slt.u32 s9, $0xF7A;
	s5 =	simm.s32 @!p2 $0x0  }
0x1d: {  	s5 =	simm.s32 @p1 $0x1;
	p0 =	seq.s32 s7, s2  }
0x1e: {  	s7 =	smul.u32 @!p0 $0xF7A, s2;
	p2 =	seq.s32 @!p0 s5, $0x0  }
0x1f: {  	s9 =	smul.u32 $0xF7A, s1;
	s8 =	simm.s32 @!p0 $0x1BF5;
	p2 =	por !p2, p0  }
0x20: {  	[sflag:s8] =	ssyncset.s32 @!p0 $0xFFFFF086;
	s6 =	sadd.s32 @!p0 s3, s7;
	s7 =	simm.s32 @!p0 $0x108  }
0x21: {  	s3 =	sadd.s32 s3, s9;
	s6 =	sadd.s32 @!p0 $0x88, s6;
	s7 =	simm.s32 @p2 $0x1082  }
0x22: {  	[simem:s7], [sflag:s8] =	dma.local @!p0 [hbm:s6], $0xF7A  }
0x23: {  	s9 =	sor.u32 $0xD0000000, s2;
	s6 =	simm.s32 $0x108;
	_ =	swait.ge @!p0 [sflag:s8], $0x0  }
0x24: {  	s3 =	sadd.s32 $0x88, s3;
	s6 =	simm.s32 @!p1 $0x1082;
	[sflag:s4] =	ssyncset.s32 $0xFFFFF086  }
0x25: {  	[simem:s6], [sflag:s4] =	dma.local [hbm:s3], $0xF7A  }
0x26: {  	[smem:$0x3FA0] =	sst s1;
	(tag) =	ssettag s2;
	_ =	strace s9  }
0x27: {  	s1 =	sld [smem:$0x3FB0]  }
0x28: {  	s2 =	sld [smem:$0x3FB1]  }
0x29: {  	s4 =	sld [smem:$0x3FB3]  }
0x2a: {  	p0 =	seq.s32 s5, $0x0;
	s5 =	sld [smem:$0x3FB4]  }
0x2b: {  	s6 =	sld [smem:$0x3FB5]  }
0x2c: {  	s7 =	sld [smem:$0x3FB6]  }
0x2d: {  	s3 =	simm.s32 $0x108;
	s8 =	sld [smem:$0x3FB7]  }
0x2e: {  	s3 =	simm.s32 @!p0 $0x1082;
	s9 =	sld [smem:$0x3FB8]  }
0x2f: {  	lr =	sadd.s32 s0, s3;
	s0 =	sld [smem:$0x3FAF]  }
0x30: {  	s3 =	sld [smem:$0x3FB2]  }
0x31: {  	[smem:$0x3FBB] =	sst s10  }
0x32: {  	s10 =	sld [smem:$0x3FB9];
	_ =	sdelay $0x3  }
0x33: {  	p0 =	seq.s32 s10, $0x1;
	s10 =	sld [smem:$0x3FBB];
	_ =	sdelay $0x3  }
0x34: {  	[smem:$0x3FBB] =	sst s10  }
0x35: {  	s10 =	sld [smem:$0x3FBA];
	_ =	sdelay $0x3  }
0x36: {  	p1 =	seq.s32 s10, $0x1;
	s10 =	sld [smem:$0x3FBB];
	_ =	sdelay $0x3  }
0x37: {  	[smem:$0x3FBB] =	sst s10  }
0x38: {  	s10 =	sld [smem:$0x3FBC]  }
0x39: {  	_ = 	snop;
	(pc) =	sbr.ind lr, $3  }
0x3a: {  	_ = 	snop  }
0x3b: {  	_ = 	snop  }
0x3c: {  	p2 =	seq.s32 s10, $0x1;
	s10 =	sld [smem:$0x3FBB]  }
0x3d: {  	_ =	shalt  }
0x3e: {  	_ =	shalt  }
0x3f: {  	_ =	shalt  }
0x40: {  	_ =	shalt  }
0x41: {  	_ =	shalt  }
0x42: {  	_ =	shalt  }
0x43: {  	_ =	shalt  }
0x44: {  	_ =	shalt  }
0x45: {  	_ =	shalt  }
0x46: {  	_ =	shalt  }
0x47: {  	_ =	shalt  }
0x48: {  	_ =	shalt  }
0x49: {  	_ =	shalt  }
0x4a: {  	_ =	shalt  }
0x4b: {  	_ =	shalt  }
0x4c: {  	_ =	shalt  }
0x4d: {  	_ =	shalt  }
0x4e: {  	_ =	shalt  }
0x4f: {  	_ =	shalt  }
0x50: {  	_ =	shalt  }
0x51: {  	_ =	shalt  }
0x52: {  	_ =	shalt  }
0x53: {  	_ =	shalt  }
0x54: {  	_ =	shalt  }
0x55: {  	_ =	shalt  }
0x56: {  	_ =	shalt  }
0x57: {  	_ =	shalt  }
0x58: {  	_ =	shalt  }
0x59: {  	_ =	shalt  }
0x5a: {  	_ =	shalt  }
0x5b: {  	_ =	shalt  }
0x5c: {  	_ =	shalt  }
0x5d: {  	_ =	shalt  }
0x5e: {  	_ =	shalt  }
0x5f: {  	_ =	shalt  }
0x60: {  	_ =	shalt  }
0x61: {  	_ =	shalt  }
0x62: {  	_ =	shalt  }
0x63: {  	_ =	shalt  }
0x64: {  	_ =	shalt  }
0x65: {  	_ =	shalt  }
0x66: {  	_ =	shalt  }
0x67: {  	_ =	shalt  }
0x68: {  	_ =	shalt  }
0x69: {  	_ =	shalt  }
0x6a: {  	_ =	shalt  }
0x6b: {  	_ =	shalt  }
0x6c: {  	_ =	shalt  }
0x6d: {  	_ =	shalt  }
0x6e: {  	_ =	shalt  }
0x6f: {  	_ =	shalt  }
0x70: {  	_ =	shalt  }
0x71: {  	_ =	shalt  }
0x72: {  	_ =	shalt  }
0x73: {  	_ =	shalt  }
0x74: {  	_ =	shalt  }
0x75: {  	_ =	shalt  }
0x76: {  	_ =	shalt  }
0x77: {  	_ =	shalt  }
0x78: {  	_ =	shalt  }
0x79: {  	_ =	shalt  }
0x7a: {  	_ =	shalt  }
0x7b: {  	_ =	shalt  }
0x7c: {  	_ =	shalt  }
0x7d: {  	_ =	shalt  }
0x7e: {  	_ =	shalt  }
0x7f: {  	_ =	shalt  }
0x80: {  	_ =	shalt  }
0x81: {  	_ =	shalt  }
0x82: {  	_ =	shalt  }
0x83: {  	_ =	shalt  }
0x84: {  	_ =	shalt  }
0x85: {  	_ =	shalt  }
0x86: {  	_ =	shalt  }
0x87: {  	_ =	shalt  }
.Lfunc_end0:
.L_simem_size_0:
called_computation_lowered:
.L_overlay_start_0:
0x88: {  	s2 =	sld [smem:$0x3FD9]  }
0x89: {  	s3 =	sld [smem:$0x3FFE];
	_ =	sdelay $0x1  }
0x8a: {  	s1 =	srdreg.scid  }
0x8b: {  	s0 =	sand.u32 $0x1, s1  }
0x8c: {  	s18 =	sshll.u32 s0, $0xA;
	s2 =	sadd.s32 s3, s2  }
0x8d: {  	s2 =	sadd.s32 s2, s18  }
0x8e: {  	[smem:$0x3FC7] =	sst s2  }
0x8f: {  	_ = 	snop  }
0x90: {  	s2 =	sld [smem:$0x3FC9]  }
0x91: {  	s19 =	sld [smem:$0x3FD0];
	(tm) =	ssettm $0x1  }
0x92: {  	s4 =	sld [smem:$0x3FFB];
	_ =	sdelay $0x3  }
0x93: {  	_ =	strace s4  }
0x94: {  	s4 =	sld [smem:$0x3FFC];
	_ =	sdelay $0x3  }
0x95: {  	_ =	strace s4  }
0x96: {  	s4 =	sld [smem:$0x3FFD];
	_ =	sdelay $0x3  }
0x97: {  	_ =	strace s4  }
0x98: {  	_ =	strace $0x8FFFFFFF  }
0x99: {  	s20 =	sld [smem:$0x3FDB];
	_ =	sdelay $0x1  }
0x9a: {  	s5 =	simm.s32 $_scs_section_size  }
0x9b: {  	s6 =	simm.s32 $_size__tile_overlayer_lowered;
	s7 =	simm.s32 $_tile_overlayer_lowered  }
0x9c: {  	s23 =	simm.s32 $0x1BFF;
	s22 =	sshll.u32 s7, $0x1;
	s4 =	sadd.s32 s5, s20  }
0x9d: {  	s8 =	simm.s32 $0x0;
	s21 =	sshll.u32 s6, $0x1;
	s6 =	sadd.s32 s22, s4  }
0x9e: {  	[timem:s8], [sflag:s23] =	dma.local [hbm:s6], s21  }
0x9f: {  	_ =	swait.ge [sflag:s23], s21  }
0xa0: {  	s5 =	ssub.s32 $0x0, s21;
	[sflag:s23] =	ssyncset.done $0x0  }
0xa1: {  	[sflag:s23] =	ssyncadd.s32 s5;
	_ =	sdelay $0x1  }
0xa2: {  	s24 =	simm.s32 $0x1B8B  }
0xa3: {  	_ =	swait.ge [sflag:s24], $0x1  }
0xa4: {  	[sflag:s24] =	ssyncset.done $0x0  }
0xa5: {  	s25 =	simm.s32 $0x1B8E;
	[sflag:s24] =	ssyncadd.s32 $0xFFFFFFFF  }
0xa6: {  	s26 =	simm.s32 $execute0_lowered;
	[smem:$0x3FD2] =	sst s25  }
0xa7: {  	s5 =	sshll.u32 s26, $0x1;
	_ =	strace $0x80000046;
	[dreg:$0x1] =	wrdreg $0xFFFFFFFF  }
0xa8: {  	s28 =	simm.s32 $_size_execute0_lowered;
	s4 =	sadd.s32 s4, s5;
	[dreg:$0x0] =	wrdreg $0x0  }
0xa9: {  	s5 =	sshll.u32 s28, $0x1;
	[dreg:$0x2] =	wrdreg s4  }
0xaa: {  	[dreg:$0x3] =	wrdreg s5  }
0xab: {  	[dreg:$0x4] =	wrdreg $0xC0  }
0xac: {  	_ =	task [dreg:s8], $0x5FFFF  }
0xad: {  	[dreg:$0x1] =	wrdreg $0xFFFFFFFF  }
0xae: {  	[dreg:$0x0] =	wrdreg $0x60  }
0xaf: {  	[dreg:$0x2] =	wrdreg s2  }
0xb0: {  	[dreg:$0x3] =	wrdreg s19  }
0xb1: {  	[dreg:$0x4] =	wrdreg $0x9  }
0xb2: {  	_ =	task.clear_ibuf [dreg:s8], $0x5FFFF;
	_ =	strace $0x90000046  }
0xb3: {  	s29 =	simm.s32 $0x9;
	_ =	strace $0x80000048  }
0xb4: {  	_ =	swait.ge [sflag:s29], $0x1  }
0xb5: {  	[sflag:s29] =	ssyncadd.s32 $0xFFFFFFFF  }
0xb6: {  	_ =	strace $0x90000048  }
0xb7: {  	_ =	sfence  }
0xb8: {  	s30 =	sld [smem:$0x0];
	_ =	sdelay $0x2  }
0xb9: {  	s31 =	sshll.u32 s1, $0xD;
	s1 =	sshrl.u32 s1, $0x2  }
0xba: {  	s3 =	sand.u32 $0x4000, s31;
	s1 =	sadd.s32 s1, s30  }
0xbb: {  	s0 =	sor.u32 s3, s0;
	s1 =	sshll.u32 s1, $0x11  }
0xbc: {  	s0 =	sor.u32 s1, s0  }
0xbd: {  	s0 =	sadd.s32 $0x8F2B, s0  }
0xbe: {  	[sflag:s0] =	ssyncadd.remote.s32 $0x1  }
0xbf: {  	_ =	sfence.sel $0xFFFF  }
0xc0: {  	[dreg:$0x0] =	wrdreg $0xFFFFFFFF;
	(pc) =	sbr.abs _section_cstart, $3  }
0xc1: {  	[dreg:$0x1] =	wrdreg $0xFFFFFFFF  }
0xc2: {  	_ =	task.clear_ibuf [dreg:s8], $0x2FFFF;
	_ =	strace $0x9FFFFFFF  }
0xc3: {  	(tm) =	ssettm $0x7FFFFFFF  }
tec
execute0_lowered:
.L_overlay_start_1:
0x0: {  	(tag) =	ssettag $0x1  }
0x1: {  	s3 =	rddreg [dreg:$0x0]  }
0x2: {  	s4 =	rddreg [dreg:$0x1]  }
0x3: {  	s0 =	rddreg [dreg:$0x2];
	s5 =	srdreg.scid  }
0x4: {  	s2 =	simm.s32 $0x0;
	s1 =	stileid.u32;
	s5 =	sand.u32 $0x1, s5  }
0x5: {  	v1 =	vlaneseq.u32;
	[smem:$0x7FF] =	sst s2;
	s7 =	sshll.u32 s1, $0x1;
	s6 =	ssub.s32 $0x2, s5  }
0x6: {  	v0 =	vand.u32 $0x7, v1;
	_ =	strace $0x80000047;
	s5 =	sor.u32 s5, s7;
	s8 =	sshrl.u32 s6, $0x1  }
0x7: {  	v0 =	vmul.u32 $0x80, v0;
	s7 =	sshll.u32 s5, $0x12;
	s5 =	sshll.u32 s5, $0x8;
	s6 =	ssub.s32 s6, s8  }
0x8: {  	s3 =	sadd.s32 s3, s7;
	s4 =	sadd.s32 s4, s5;
	s7 =	simm.s32 $0x10000  }
0x9: {  	v1 =	vmul.u32 $0x80, v1;
	v2 =	vor.u32 $0x1, v0;
	v3 =	vor.u32 $0x3, v0;
	s8 =	simm.s32 $0x0;
	s5 =	smax.u32 s6, $0x1;
	s6 =	simm.s32 $0x1  }
.LBB2_1:
0xa: {  	s10 =	sadd.s32 $0x0, s3;
	s9 =	simm.s32 $0x0  }
0xb: {  	[tilespmem:s9], [sflag:$0x1] =	stream.linear.gather [hbm4b:s10+s2], $0x10, $0x38;
	[tilespmem:$0x10800] =	vst v63  }
0xc: {  	s11 =	simm.s32 $0x80;
	s20 =	sadd.s32 $0x10, s10  }
0xd: {  	[tilespmem:s11], [sflag:$0x1] =	stream.linear.gather [hbm4b:s20+s2], $0x10, $0x38;
	[tilespmem:$0x10800] =	vst v63  }
0xe: {  	s22 =	simm.s32 $0x100;
	s21 =	sadd.s32 $0x20, s10  }
0xf: {  	[tilespmem:s22], [sflag:$0x1] =	stream.linear.gather [hbm4b:s21+s2], $0x10, $0x38;
	[tilespmem:$0x10800] =	vst v63  }
0x10: {  	s24 =	simm.s32 $0x180;
	s23 =	sadd.s32 $0x30, s10  }
0x11: {  	[tilespmem:s24], [sflag:$0x1] =	stream.linear.gather [hbm4b:s23+s2], $0x10, $0x38;
	[tilespmem:$0x10800] =	vst v63  }
0x12: {  	s26 =	simm.s32 $0x200;
	s29 =	simm.s32 $0x280;
	s25 =	sadd.s32 $0x40, s10  }
0x13: {  	[tilespmem:s26], [sflag:$0x1] =	stream.linear.gather [hbm4b:s25+s2], $0x10, $0x38;
	[tilespmem:$0x10800] =	vst v63  }
0x14: {  	s31 =	simm.s32 $0x300;
	s28 =	sadd.s32 $0x50, s10;
	s30 =	sadd.s32 $0x60, s10  }
0x15: {  	[tilespmem:s29], [sflag:$0x1] =	stream.linear.gather [hbm4b:s28+s2], $0x10, $0x38;
	[tilespmem:$0x10800] =	vst v63  }
0x16: {  	s9 =	simm.s32 $0x1000;
	s10 =	sadd.s32 $0x70, s10;
	s11 =	simm.s32 $0x380  }
0x17: {  	[tilespmem:s31], [sflag:$0x1] =	stream.linear.gather [hbm4b:s30+s2], $0x10, $0x38;
	[tilespmem:$0x10800] =	vst v63  }
.LBB2_2:
0x18: {  	[tilespmem:s11], [sflag:$0x1] =	stream.linear.gather [hbm4b:s10+s2], $0x10, $0x38;
	[tilespmem:$0x10800] =	vst v63  }
0x19: {  	s10 =	sadd.s32 s9, s3;
	s11 =	sshra.s32 s9, $0x2;
	p0 =	sne.s32 s9, $0x3F000  }
0x1a: {  	[tilespmem:s11], [sflag:$0x1] =	stream.linear.gather [hbm4b:s10+s2], $0x10, $0x38;
	[tilespmem:$0x10800] =	vst v63  }
0x1b: {  	s9 =	sadd.s32 $0x1000, s9;
	s12 =	sadd.s32 $0x10, s10;
	s13 =	sadd.s32 $0x80, s11  }
0x1c: {  	[tilespmem:s13], [sflag:$0x1] =	stream.linear.gather [hbm4b:s12+s2], $0x10, $0x38;
	[tilespmem:$0x10800] =	vst v63  }
0x1d: {  	s12 =	sadd.s32 $0x20, s10;
	s13 =	sadd.s32 $0x100, s11  }
0x1e: {  	[tilespmem:s13], [sflag:$0x1] =	stream.linear.gather [hbm4b:s12+s2], $0x10, $0x38;
	[tilespmem:$0x10800] =	vst v63  }
0x1f: {  	s12 =	sadd.s32 $0x30, s10;
	s13 =	sadd.s32 $0x180, s11  }
0x20: {  	[tilespmem:s13], [sflag:$0x1] =	stream.linear.gather [hbm4b:s12+s2], $0x10, $0x38;
	[tilespmem:$0x10800] =	vst v63  }
0x21: {  	s12 =	sadd.s32 $0x40, s10;
	s13 =	sadd.s32 $0x200, s11  }
0x22: {  	[tilespmem:s13], [sflag:$0x1] =	stream.linear.gather [hbm4b:s12+s2], $0x10, $0x38;
	[tilespmem:$0x10800] =	vst v63  }
.Ltmp0:
0x23: {  	s12 =	sadd.s32 $0x50, s10;
	s13 =	sadd.s32 $0x280, s11;
	(pc) =	sbr.rel @p0 .LBB2_2-.Ltmp0, $4  }
0x24: {  	[tilespmem:s13], [sflag:$0x1] =	stream.linear.gather [hbm4b:s12+s2], $0x10, $0x38;
	[tilespmem:$0x10800] =	vst v63  }
0x25: {  	s12 =	sadd.s32 $0x60, s10;
	s13 =	sadd.s32 $0x300, s11  }
0x26: {  	[tilespmem:s13], [sflag:$0x1] =	stream.linear.gather [hbm4b:s12+s2], $0x10, $0x38;
	[tilespmem:$0x10800] =	vst v63  }
0x27: {  	s10 =	sadd.s32 $0x70, s10;
	s11 =	sadd.s32 $0x380, s11  }
0x28: {  	s9 =	simm.s32 $0x0  }
0x29: {  	v4 =	vmov s9  }
0x2a: {  	v4 =	vshll.u32 v4, $0x7  }
0x2b: {  	v4 =	vor.u32 v1, v4  }
0x2c: {  	v4 =	vand.u32 $0xFC00, v4  }
0x2d: {  	v5 =	vor.u32 v2, v4  }
0x2e: {  	[tilespmem:s11], [sflag:$0x1] =	stream.linear.gather [hbm4b:s10+s2], $0x10, $0x38;
	[tilespmem:$0x10800] =	vst v63  }
0x2f: {  	_ =	swait.ge [sflag:s6], $0x2000  }
0x30: {  	[sflag:s6] =	ssyncset.done $0x0  }
0x31: {  	[sflag:s6] =	ssyncadd.s32 $0xFFFFE000  }
0x32: {  	v5 =	vld.idx.msk [tilespmem:v5+s2+$0x0], $0xffff  }
0x33: {  	v6 =	vor.u32 v3, v4;
	_ =	sdelay $0x1  }
0x34: {  	s31 =	sand.u32 $0x600, s9;
	s9 =	sand.u32 $0x70, s9  }
0x35: {  	s11 =	sor.u32 s9, s31  }
0x36: {  	[tilespmem:s11+$0x10000] =	vst v5  }
0x37: {  	v5 =	vld.idx.msk [tilespmem:v6+s2+$0x0], $0xffff  }
0x38: {  	v4 =	vor.u32 v0, v4;
	_ =	sdelay $0x1  }
0x39: {  	s9 =	simm.s32 $0x10  }
0x3a: {  	s10 =	simm.s32 $0x40;
	s12 =	simm.s32 $0x80;
	v6 =	vmov s9  }
.LBB2_4:
0x3b: {  	p0 =	sne.s32 s12, $0x7C0;
	v6 =	vshll.u32 v6, $0x7;
	[tilespmem:s11+$0x10080] =	vst v5  }
0x3c: {  	v5 =	vor.u32 v1, v6;
	v4 =	vld.idx.msk [tilespmem:v4+s2+$0x0], $0xffff  }
0x3d: {  	v6 =	vand.u32 $0xFC00, v5  }
0x3e: {  	v5 =	vor.u32 v2, v6;
	_ =	sdelay $0x3  }
0x3f: {  	[tilespmem:s11+$0x10100] =	vst v4  }
0x40: {  	v4 =	vld.idx.msk [tilespmem:v5+s2+$0x0], $0xffff;
	_ =	sdelay $0x1  }
0x41: {  	v5 =	vor.u32 v3, v6;
	_ =	sdelay $0x1  }
0x42: {  	s13 =	sand.u32 $0x70, s9;
	s11 =	sand.u32 $0x600, s10;
	s10 =	smov.u32 s12  }
0x43: {  	s11 =	sor.u32 s13, s11  }
0x44: {  	[tilespmem:s11+$0x10000] =	vst v4  }
0x45: {  	v5 =	vld.idx.msk [tilespmem:v5+s2+$0x0], $0xffff  }
.Ltmp1:
0x46: {  	(pc) =	sbr.rel @p0 .LBB2_4-.Ltmp1, $3  }
0x47: {  	v4 =	vor.u32 v0, v6;
	_ =	sdelay $0x1  }
0x48: {  	s9 =	sadd.s32 $0x10, s9  }
0x49: {  	s12 =	sadd.s32 $0x40, s12;
	v6 =	vmov s9  }
0x4a: {  	_ =	sdelay $0x1  }
0x4b: {  	v6 =	vshll.u32 v6, $0x7  }
0x4c: {  	[tilespmem:s11+$0x10080] =	vst v5;
	v5 =	vor.u32 v1, v6  }
0x4d: {  	v4 =	vld.idx.msk [tilespmem:v4+s2+$0x0], $0xffff;
	v5 =	vand.u32 $0xFC00, v5  }
0x4e: {  	v62 =	vor.u32 v2, v5;
	_ =	sdelay $0x3  }
0x4f: {  	[tilespmem:s11+$0x10100] =	vst v4  }
0x50: {  	v4 =	vld.idx.msk [tilespmem:v62+s2+$0x0], $0xffff  }
0x51: {  	v63 =	vor.u32 v3, v5;
	_ =	sdelay $0x1  }
0x52: {  	s10 =	sand.u32 $0x600, s10;
	s9 =	sand.u32 $0x70, s9  }
0x53: {  	s9 =	sor.u32 s9, s10  }
0x54: {  	[tilespmem:s9+$0x10000] =	vst v4  }
0x55: {  	v4 =	vld.idx.msk [tilespmem:v63+s2+$0x0], $0xffff  }
0x56: {  	v5 =	vor.u32 v0, v5;
	_ =	sdelay $0x3  }
0x57: {  	[tilespmem:s9+$0x10080] =	vst v4  }
0x58: {  	v4 =	vld.idx.msk [tilespmem:v5+s2+$0x0], $0xffff;
	_ =	sdelay $0x2  }
0x59: {  	s8 =	sadd.s32 $0x1, s8  }
0x5a: {  	p0 =	sne.s32 s8, s5  }
.Ltmp2:
0x5b: {  	[tilespmem:s9+$0x10100] =	vst v4;
	(pc) =	sbr.rel @p0 .LBB2_1-.Ltmp2, $4  }
0x5c: {  	[hbm4b:s4+s2] =	stream.linear.scatter [tilespmem:s7], [sflag:$0x1], $0x800, $0x38;
	[tilespmem:$0x10800] =	vst v63  }
0x5d: {  	_ =	swait.ge [sflag:s6], $0x800  }
0x5e: {  	[sflag:s6] =	ssyncset.done $0x0  }
0x5f: {  	[sflag:s6] =	ssyncadd.s32 $0xFFFFF800  }
0x60: {  	_ =	sfence.sel $0x180000  }
0x61: {  	[bflag:$0x0] =	sbarrier.arrive $0xFFFF  }
0x62: {  	p0 =	sne.s32 s1, $0x0;
	_ =	strace $0x90000047  }
0x63: {  	s0 =	sadd.s32 @!p0 $0x100000, s0;
	[bflag:$0x2] =	sbarrier.arrive $0xFFFF  }
0x64: {  	[sflag:s0] =	ssyncadd.tile.s32 @!p0 $0x1;
	_ =	shalt  }
.Lfunc_end2:
_tile_overlayer_lowered:
.L_overlay_start_2:
0x65: {  	(tag) =	ssettag $0x2  }
0x66: {  	s0 =	rddreg [dreg:$0x0];
	s2 =	stileid.u32  }
0x67: {  	s1 =	rddreg [dreg:$0x1];
	p0 =	sne.s32 s2, $0x0  }
0x68: {  	s3 =	rddreg [dreg:$0x2];
	[bflag:$0x3] =	sbarrier.arrive $0xFFFF;
	s2 =	simm.s32 @!p0 $0x1C01  }
0x69: {  	[timem:s3], [sflag:s2] =	dma.local @!p0 [hbm:s0], s1  }
0x6a: {  	s0 =	simm.s32 @!p0 $0x1  }
0x6b: {  	_ =	swait.ge @!p0 [sflag:s0], s1  }
0x6c: {  	s1 =	ssub.s32 @!p0 $0x0, s1;
	[sflag:s0] =	ssyncset.done @!p0 $0x0  }
0x6d: {  	[sflag:s0] =	ssyncadd.s32 @!p0 s1  }
0x6e: {  	[bflag:$0x3] =	sbarrier.arrive $0xFFFF  }
0x6f: {  	_ =	shalt  }

</sc_bundles>
